<compile_context>
chip_gen: v7x
topology: tpu7x:2x2x1
jax: 0.10.2.dev20260603
libtpu: 0.0.44.dev20260713+nightly
codegen_flags: <defaults>
</compile_context>

<pallas_src>
import functools

import jax
import jax.numpy as jnp
from jax import lax
from jax.experimental import pallas as pl
from jax.experimental.pallas import tpu as pltpu
from jax.experimental.pallas import tpu_sc as plsc

_R = 20000
_C = 91
_NC = 2
_NS = 16
_NW = _NC * _NS
_L = 16
_KC = 3
_PH = 2
_NU = _KC * _PH


def _sc_scan_body(y_hbm, vals_out, idxs_out, buf0, buf1, buf2, val_s, idx_s):
    cid = lax.axis_index("c")
    sid = lax.axis_index("s")
    wid = sid * _NC + cid

    bufs = (buf0, buf1, buf2)
    classes = [
        wid,
        wid + _NW,
        jnp.minimum(wid + 2 * _NW, _C - 1),
    ]
    for k, c in enumerate(classes):
        pltpu.sync_copy(y_hbm.at[pl.ds(c, 1), pl.ds(0, 1), :], bufs[k])

    lanes91 = lax.iota(jnp.int32, 16) * _C

    def step(i, carry):
        bvs, bis, curs = carry
        new_bvs, new_bis, new_curs = [], [], []
        for j in range(_NU):
            k, q = divmod(j, _PH)
            v = bufs[k][0, 0, pl.ds((i * _PH + q) * _L, _L)]
            take = v > bvs[j]
            new_bvs.append(jnp.maximum(bvs[j], v))
            new_bis.append(jnp.where(take, curs[j], bis[j]))
            new_curs.append(curs[j] + _PH * _L * _C)
        return tuple(new_bvs), tuple(new_bis), tuple(new_curs)

    init = (
        tuple(jnp.full((_L,), -1.0e30, jnp.float32) for _ in range(_NU)),
        tuple(jnp.zeros((_L,), jnp.int32) for _ in range(_NU)),
        tuple(
            classes[j // _PH] + (j % _PH) * _L * _C + lanes91
            for j in range(_NU)
        ),
    )
    bvs, bis, _ = lax.fori_loop(0, _R // (_PH * _L), step, init)

    bvs, bis = list(bvs), list(bis)
    while len(bvs) > 1:
        nv, ni = [], []
        for k in range(0, len(bvs) - 1, 2):
            va, vb = bvs[k], bvs[k + 1]
            ia, ib = bis[k], bis[k + 1]
            take_b = (vb > va) | ((vb == va) & (ib < ia))
            nv.append(jnp.where(take_b, vb, va))
            ni.append(jnp.where(take_b, ib, ia))
        if len(bvs) % 2:
            nv.append(bvs[-1])
            ni.append(bis[-1])
        bvs, bis = nv, ni

    val_s[...] = bvs[0]
    idx_s[...] = bis[0]
    pltpu.sync_copy(val_s, vals_out.at[pl.ds(wid * _L, _L)])
    pltpu.sync_copy(idx_s, idxs_out.at[pl.ds(wid * _L, _L)])


@functools.lru_cache(maxsize=None)
def _build_sc_scan():
    return pl.kernel(
        _sc_scan_body,
        out_type=(
            jax.ShapeDtypeStruct((_NW * _L,), jnp.float32),
            jax.ShapeDtypeStruct((_NW * _L,), jnp.int32),
        ),
        name="sc_argmax_scan",
        mesh=plsc.VectorSubcoreMesh(
            core_axis_name="c", subcore_axis_name="s",
            num_cores=_NC, num_subcores=_NS,
        ),
        scratch_types=(
            pltpu.VMEM((1, 1, _R), jnp.float32),
            pltpu.VMEM((1, 1, _R), jnp.float32),
            pltpu.VMEM((1, 1, _R), jnp.float32),
            pltpu.VMEM((_L,), jnp.float32),
            pltpu.VMEM((_L,), jnp.int32),
        ),
    )


def _tc_finish_body(v_ref, i_ref, score_ref, label_ref):
    v = v_ref[...]
    idx = i_ref[...]
    m = jnp.max(v)
    sel = jnp.where(v == m, idx, jnp.int32(2**31 - 1))
    mi = jnp.min(sel, keepdims=True).reshape(1, 1)
    score_ref[...] = 1.0 / (1.0 + jnp.exp(-jnp.max(v, keepdims=True).reshape(1, 1)))
    label_ref[...] = mi % _C


def _tc_finish(vals, idxs):
    return pl.pallas_call(
        _tc_finish_body,
        out_shape=(
            jax.ShapeDtypeStruct((1, 1), jnp.float32),
            jax.ShapeDtypeStruct((1, 1), jnp.int32),
        ),
    )(vals, idxs)


def kernel(pred_logits, pred_boxes):
    del pred_boxes
    yt = jnp.transpose(pred_logits, (2, 0, 1))
    vals, idxs = _build_sc_scan()(yt)
    score, label = _tc_finish(vals.reshape(4, 128), idxs.reshape(4, 128))
    return (score.reshape(1), label.reshape(1))

# --- scband reference (transcript-rebuilt; emitter-appended) ---
"""Pipeline reference for scband-post-process-for-scores-86096914416470 (READ-ONLY COPY).

The authoritative reference and input builder live on the scoring server;
editing this copy changes nothing except your own understanding.
"""

import jax, jax.numpy as jnp
import numpy as np


def setup_inputs(seed: int = 0) -> dict:
    key = jax.random.key(seed)
    k1, k2 = jax.random.split(key)
    pred_logits = jax.random.normal(k1, (16, 20000, 91), dtype=jnp.float32)
    pred_boxes = jax.random.uniform(k2, (16, 20000, 4), dtype=jnp.float32)
    return {"pred_logits": pred_logits, "pred_boxes": pred_boxes}


def reference(pred_logits, pred_boxes):
    # Faithful translation of PostProcess_for_scores.forward with target_id=None
    prob = jax.nn.sigmoid(pred_logits)
    B = pred_logits.shape[0]
    num_classes = pred_logits.shape[2]
    flat = prob.reshape(B, -1)
    topk_values, topk_indexes = jax.lax.top_k(flat, 300)
    scores = topk_values
    labels = topk_indexes % num_classes
    # target_id is None branch: take the single best detection of image 0
    scores_out = jnp.array([scores[0, 0]], dtype=scores.dtype)
    labels_out = jnp.array([labels[0, 0]], dtype=labels.dtype)
    return (scores_out, labels_out)

if __name__ == "__main__":
    import jax
    _d = setup_inputs()
    print(jax.jit(kernel)(*tuple(_d.values())))

</pallas_src>

<mosaic_0001>
#map = affine_map<(d0, d1) -> (0, 0, 0)>
#map1 = affine_map<(d0, d1) -> (0)>
module attributes {stable_mosaic.version = 14 : i64} {
  func.func @sc_argmax_scan(%arg0: i32, %arg1: i32, %arg2: memref<91x16x20000xf32, #tpu.memory_space<hbm>>, %arg3: memref<512xf32, #tpu.memory_space<hbm>>, %arg4: memref<512xi32, #tpu.memory_space<hbm>>, %arg5: memref<1x1x20000xf32, #tpu.memory_space<vmem>>, %arg6: memref<1x1x20000xf32, #tpu.memory_space<vmem>>, %arg7: memref<1x1x20000xf32, #tpu.memory_space<vmem>>, %arg8: memref<16xf32, #tpu.memory_space<vmem>>, %arg9: memref<16xi32, #tpu.memory_space<vmem>>) attributes {dimension_semantics = [#tpu.dimension_semantics<core_parallel>, #tpu.dimension_semantics<subcore_parallel>], iteration_bounds = array<i64: 2, 16>, scalar_prefetch = 0 : i64, scratch_operands = 5 : i64, tpu.core_type = #tpu.core_type<sc_vector_subcore>, window_params = [{transform_indices = #map}, {transform_indices = #map1}, {transform_indices = #map1}]} {
    %mul3A = arith.constant 2 : i32
    %mul3A_0 = arith.muli %arg1, %mul3A : i32
    %add3A = arith.addi %mul3A_0, %arg0 : i32
    %add3A_1 = arith.constant 32 : i32
    %add3A_2 = arith.addi %add3A, %add3A_1 : i32
    %add3A_3 = arith.constant 64 : i32
    %add3A_4 = arith.addi %add3A, %add3A_3 : i32
    %min3A = arith.constant 90 : i32
    %min3A_5 = arith.minsi %add3A_4, %min3A : i32
    "tpu.region"() ({
      %run_scoped3A = tpu.sem_alloc : memref<!tpu.dma_semaphore, #tpu.memory_space<semaphore_mem>>
      %dma_start3A = arith.constant 0 : i32
      %dma_start3A_101 = arith.constant 0 : i32
      %dma_start3A_102 = tpu.memref_slice %arg2[%add3A, %dma_start3A, %dma_start3A_101] : memref<91x16x20000xf32, #tpu.memory_space<hbm>> -> memref<1x1x20000xf32, #tpu.memory_space<hbm>>
      %dma_start3A_103 = arith.constant 0 : i32
      %dma_start3A_104 = arith.constant 0 : i32
      %dma_start3A_105 = tpu.memref_slice %arg2[%add3A, %dma_start3A_103, %dma_start3A_104] : memref<91x16x20000xf32, #tpu.memory_space<hbm>> -> memref<1x1x20000xf32, #tpu.memory_space<hbm>>
      tpu.enqueue_dma source(%dma_start3A_105 : memref<1x1x20000xf32, #tpu.memory_space<hbm>>) target(%arg5 : memref<1x1x20000xf32, #tpu.memory_space<vmem>>) target_semaphore(%run_scoped3A : memref<!tpu.dma_semaphore, #tpu.memory_space<semaphore_mem>>)
      %dma_wait3A = arith.constant 0 : i32
      %dma_wait3A_106 = arith.constant 0 : i32
      %dma_wait3A_107 = tpu.memref_slice %arg2[%add3A, %dma_wait3A, %dma_wait3A_106] : memref<91x16x20000xf32, #tpu.memory_space<hbm>> -> memref<1x1x20000xf32, #tpu.memory_space<hbm>>
      %dma_wait3A_108 = arith.constant 0 : i32
      %dma_wait3A_109 = arith.constant 0 : i32
      %dma_wait3A_110 = tpu.memref_slice %arg2[%add3A, %dma_wait3A_108, %dma_wait3A_109] : memref<91x16x20000xf32, #tpu.memory_space<hbm>> -> memref<1x1x20000xf32, #tpu.memory_space<hbm>>
      tpu.wait_dma2 semaphore(%run_scoped3A : memref<!tpu.dma_semaphore, #tpu.memory_space<semaphore_mem>>) src(%dma_wait3A_110 : memref<1x1x20000xf32, #tpu.memory_space<hbm>>) dst(%arg5 : memref<1x1x20000xf32, #tpu.memory_space<vmem>>)
      tpu.yield
    }) : () -> ()
    "tpu.region"() ({
      %run_scoped3A = tpu.sem_alloc : memref<!tpu.dma_semaphore, #tpu.memory_space<semaphore_mem>>
      %dma_start3A = arith.constant 0 : i32
      %dma_start3A_101 = arith.constant 0 : i32
      %dma_start3A_102 = tpu.memref_slice %arg2[%add3A_2, %dma_start3A, %dma_start3A_101] : memref<91x16x20000xf32, #tpu.memory_space<hbm>> -> memref<1x1x20000xf32, #tpu.memory_space<hbm>>
      %dma_start3A_103 = arith.constant 0 : i32
      %dma_start3A_104 = arith.constant 0 : i32
      %dma_start3A_105 = tpu.memref_slice %arg2[%add3A_2, %dma_start3A_103, %dma_start3A_104] : memref<91x16x20000xf32, #tpu.memory_space<hbm>> -> memref<1x1x20000xf32, #tpu.memory_space<hbm>>
      tpu.enqueue_dma source(%dma_start3A_105 : memref<1x1x20000xf32, #tpu.memory_space<hbm>>) target(%arg6 : memref<1x1x20000xf32, #tpu.memory_space<vmem>>) target_semaphore(%run_scoped3A : memref<!tpu.dma_semaphore, #tpu.memory_space<semaphore_mem>>)
      %dma_wait3A = arith.constant 0 : i32
      %dma_wait3A_106 = arith.constant 0 : i32
      %dma_wait3A_107 = tpu.memref_slice %arg2[%add3A_2, %dma_wait3A, %dma_wait3A_106] : memref<91x16x20000xf32, #tpu.memory_space<hbm>> -> memref<1x1x20000xf32, #tpu.memory_space<hbm>>
      %dma_wait3A_108 = arith.constant 0 : i32
      %dma_wait3A_109 = arith.constant 0 : i32
      %dma_wait3A_110 = tpu.memref_slice %arg2[%add3A_2, %dma_wait3A_108, %dma_wait3A_109] : memref<91x16x20000xf32, #tpu.memory_space<hbm>> -> memref<1x1x20000xf32, #tpu.memory_space<hbm>>
      tpu.wait_dma2 semaphore(%run_scoped3A : memref<!tpu.dma_semaphore, #tpu.memory_space<semaphore_mem>>) src(%dma_wait3A_110 : memref<1x1x20000xf32, #tpu.memory_space<hbm>>) dst(%arg6 : memref<1x1x20000xf32, #tpu.memory_space<vmem>>)
      tpu.yield
    }) : () -> ()
    "tpu.region"() ({
      %run_scoped3A = tpu.sem_alloc : memref<!tpu.dma_semaphore, #tpu.memory_space<semaphore_mem>>
      %dma_start3A = arith.constant 0 : i32
      %dma_start3A_101 = arith.constant 0 : i32
      %dma_start3A_102 = tpu.memref_slice %arg2[%min3A_5, %dma_start3A, %dma_start3A_101] : memref<91x16x20000xf32, #tpu.memory_space<hbm>> -> memref<1x1x20000xf32, #tpu.memory_space<hbm>>
      %dma_start3A_103 = arith.constant 0 : i32
      %dma_start3A_104 = arith.constant 0 : i32
      %dma_start3A_105 = tpu.memref_slice %arg2[%min3A_5, %dma_start3A_103, %dma_start3A_104] : memref<91x16x20000xf32, #tpu.memory_space<hbm>> -> memref<1x1x20000xf32, #tpu.memory_space<hbm>>
      tpu.enqueue_dma source(%dma_start3A_105 : memref<1x1x20000xf32, #tpu.memory_space<hbm>>) target(%arg7 : memref<1x1x20000xf32, #tpu.memory_space<vmem>>) target_semaphore(%run_scoped3A : memref<!tpu.dma_semaphore, #tpu.memory_space<semaphore_mem>>)
      %dma_wait3A = arith.constant 0 : i32
      %dma_wait3A_106 = arith.constant 0 : i32
      %dma_wait3A_107 = tpu.memref_slice %arg2[%min3A_5, %dma_wait3A, %dma_wait3A_106] : memref<91x16x20000xf32, #tpu.memory_space<hbm>> -> memref<1x1x20000xf32, #tpu.memory_space<hbm>>
      %dma_wait3A_108 = arith.constant 0 : i32
      %dma_wait3A_109 = arith.constant 0 : i32
      %dma_wait3A_110 = tpu.memref_slice %arg2[%min3A_5, %dma_wait3A_108, %dma_wait3A_109] : memref<91x16x20000xf32, #tpu.memory_space<hbm>> -> memref<1x1x20000xf32, #tpu.memory_space<hbm>>
      tpu.wait_dma2 semaphore(%run_scoped3A : memref<!tpu.dma_semaphore, #tpu.memory_space<semaphore_mem>>) src(%dma_wait3A_110 : memref<1x1x20000xf32, #tpu.memory_space<hbm>>) dst(%arg7 : memref<1x1x20000xf32, #tpu.memory_space<vmem>>)
      tpu.yield
    }) : () -> ()
    %iota3A = tpu.iota {dimensions = array<i32: 0>} : vector<16xi32>
    %mul3A_6 = arith.constant 91 : i32
    %mul3A_7 = vector.broadcast %mul3A_6 : i32 to vector<16xi32>
    %mul3A_8 = arith.muli %iota3A, %mul3A_7 : vector<16xi32>
    %broadcast_in_dim3A = arith.constant -1.000000e+30 : f32
    %broadcast_in_dim3A_9 = vector.broadcast %broadcast_in_dim3A : f32 to vector<16xf32>
    %broadcast_in_dim3A_10 = arith.constant -1.000000e+30 : f32
    %broadcast_in_dim3A_11 = vector.broadcast %broadcast_in_dim3A_10 : f32 to vector<16xf32>
    %broadcast_in_dim3A_12 = arith.constant -1.000000e+30 : f32
    %broadcast_in_dim3A_13 = vector.broadcast %broadcast_in_dim3A_12 : f32 to vector<16xf32>
    %broadcast_in_dim3A_14 = arith.constant -1.000000e+30 : f32
    %broadcast_in_dim3A_15 = vector.broadcast %broadcast_in_dim3A_14 : f32 to vector<16xf32>
    %broadcast_in_dim3A_16 = arith.constant -1.000000e+30 : f32
    %broadcast_in_dim3A_17 = vector.broadcast %broadcast_in_dim3A_16 : f32 to vector<16xf32>
    %broadcast_in_dim3A_18 = arith.constant -1.000000e+30 : f32
    %broadcast_in_dim3A_19 = vector.broadcast %broadcast_in_dim3A_18 : f32 to vector<16xf32>
    %broadcast_in_dim3A_20 = arith.constant 0 : i32
    %broadcast_in_dim3A_21 = vector.broadcast %broadcast_in_dim3A_20 : i32 to vector<16xi32>
    %broadcast_in_dim3A_22 = arith.constant 0 : i32
    %broadcast_in_dim3A_23 = vector.broadcast %broadcast_in_dim3A_22 : i32 to vector<16xi32>
    %broadcast_in_dim3A_24 = arith.constant 0 : i32
    %broadcast_in_dim3A_25 = vector.broadcast %broadcast_in_dim3A_24 : i32 to vector<16xi32>
    %broadcast_in_dim3A_26 = arith.constant 0 : i32
    %broadcast_in_dim3A_27 = vector.broadcast %broadcast_in_dim3A_26 : i32 to vector<16xi32>
    %broadcast_in_dim3A_28 = arith.constant 0 : i32
    %broadcast_in_dim3A_29 = vector.broadcast %broadcast_in_dim3A_28 : i32 to vector<16xi32>
    %broadcast_in_dim3A_30 = arith.constant 0 : i32
    %broadcast_in_dim3A_31 = vector.broadcast %broadcast_in_dim3A_30 : i32 to vector<16xi32>
    %add3A_32 = arith.constant 0 : i32
    %add3A_33 = arith.addi %add3A, %add3A_32 : i32
    %add3A_34 = vector.broadcast %add3A_33 : i32 to vector<16xi32>
    %add3A_35 = arith.addi %add3A_34, %mul3A_8 : vector<16xi32>
    %add3A_36 = arith.constant 1456 : i32
    %add3A_37 = arith.addi %add3A, %add3A_36 : i32
    %add3A_38 = vector.broadcast %add3A_37 : i32 to vector<16xi32>
    %add3A_39 = arith.addi %add3A_38, %mul3A_8 : vector<16xi32>
    %add3A_40 = arith.constant 0 : i32
    %add3A_41 = arith.addi %add3A_2, %add3A_40 : i32
    %add3A_42 = vector.broadcast %add3A_41 : i32 to vector<16xi32>
    %add3A_43 = arith.addi %add3A_42, %mul3A_8 : vector<16xi32>
    %add3A_44 = arith.constant 1456 : i32
    %add3A_45 = arith.addi %add3A_2, %add3A_44 : i32
    %add3A_46 = vector.broadcast %add3A_45 : i32 to vector<16xi32>
    %add3A_47 = arith.addi %add3A_46, %mul3A_8 : vector<16xi32>
    %add3A_48 = arith.constant 0 : i32
    %add3A_49 = arith.addi %min3A_5, %add3A_48 : i32
    %add3A_50 = vector.broadcast %add3A_49 : i32 to vector<16xi32>
    %add3A_51 = arith.addi %add3A_50, %mul3A_8 : vector<16xi32>
    %add3A_52 = arith.constant 1456 : i32
    %add3A_53 = arith.addi %min3A_5, %add3A_52 : i32
    %add3A_54 = vector.broadcast %add3A_53 : i32 to vector<16xi32>
    %add3A_55 = arith.addi %add3A_54, %mul3A_8 : vector<16xi32>
    %scan3A = arith.constant 0 : i32
    %scan3A_56 = arith.constant 625 : i32
    %scan3A_57 = arith.addi %scan3A, %scan3A_56 : i32
    %scan3A_58 = arith.constant 1 : i32
    %scan3A_59:18 = scf.for %scan3A_101 = %scan3A to %scan3A_57 step %scan3A_58 iter_args(%scan3A_102 = %broadcast_in_dim3A_9, %scan3A_103 = %broadcast_in_dim3A_11, %scan3A_104 = %broadcast_in_dim3A_13, %scan3A_105 = %broadcast_in_dim3A_15, %scan3A_106 = %broadcast_in_dim3A_17, %scan3A_107 = %broadcast_in_dim3A_19, %scan3A_108 = %broadcast_in_dim3A_21, %scan3A_109 = %broadcast_in_dim3A_23, %scan3A_110 = %broadcast_in_dim3A_25, %scan3A_111 = %broadcast_in_dim3A_27, %scan3A_112 = %broadcast_in_dim3A_29, %scan3A_113 = %broadcast_in_dim3A_31, %scan3A_114 = %add3A_35, %scan3A_115 = %add3A_39, %scan3A_116 = %add3A_43, %scan3A_117 = %add3A_47, %scan3A_118 = %add3A_51, %scan3A_119 = %add3A_55) -> (vector<16xf32>, vector<16xf32>, vector<16xf32>, vector<16xf32>, vector<16xf32>, vector<16xf32>, vector<16xi32>, vector<16xi32>, vector<16xi32>, vector<16xi32>, vector<16xi32>, vector<16xi32>, vector<16xi32>, vector<16xi32>, vector<16xi32>, vector<16xi32>, vector<16xi32>, vector<16xi32>)  : i32 {
      %mul3A_120 = arith.constant 2 : i32
      %mul3A_121 = arith.muli %scan3A_101, %mul3A_120 : i32
      %add3A_122 = arith.constant 0 : i32
      %add3A_123 = arith.addi %mul3A_121, %add3A_122 : i32
      %mul3A_124 = arith.constant 16 : i32
      %mul3A_125 = arith.muli %add3A_123, %mul3A_124 : i32
      %get3A = arith.constant 0 : i32
      %get3A_126 = arith.constant 0 : i32
      %get3A_127 = arith.index_cast %get3A : i32 to index
      %get3A_128 = arith.index_cast %get3A_126 : i32 to index
      %get3A_129 = arith.index_cast %mul3A_125 : i32 to index
      %get3A_130 = tpu.vector_load %arg5[%get3A_127, %get3A_128, %get3A_129] {strides = array<i32>} : memref<1x1x20000xf32, #tpu.memory_space<vmem>>, vector<1x1x16xf32>,
      %get3A_131 = vector.shape_cast %get3A_130 : vector<1x1x16xf32> to vector<16xf32>
      %gt3A_132 = arith.cmpf ogt, %get3A_131, %scan3A_102 : vector<16xf32>
      %max3A = arith.maximumf %scan3A_102, %get3A_131 : vector<16xf32>
      %select_n3A_133 = arith.select %gt3A_132, %scan3A_114, %scan3A_108 : vector<16xi1>, vector<16xi32>
      %add3A_134 = arith.constant 2912 : i32
      %add3A_135 = vector.broadcast %add3A_134 : i32 to vector<16xi32>
      %add3A_136 = arith.addi %scan3A_114, %add3A_135 : vector<16xi32>
      %mul3A_137 = arith.constant 2 : i32
      %mul3A_138 = arith.muli %scan3A_101, %mul3A_137 : i32
      %add3A_139 = arith.constant 1 : i32
      %add3A_140 = arith.addi %mul3A_138, %add3A_139 : i32
      %mul3A_141 = arith.constant 16 : i32
      %mul3A_142 = arith.muli %add3A_140, %mul3A_141 : i32
      %get3A_143 = arith.constant 0 : i32
      %get3A_144 = arith.constant 0 : i32
      %get3A_145 = arith.index_cast %get3A_143 : i32 to index
      %get3A_146 = arith.index_cast %get3A_144 : i32 to index
      %get3A_147 = arith.index_cast %mul3A_142 : i32 to index
      %get3A_148 = tpu.vector_load %arg5[%get3A_145, %get3A_146, %get3A_147] {strides = array<i32>} : memref<1x1x20000xf32, #tpu.memory_space<vmem>>, vector<1x1x16xf32>,
      %get3A_149 = vector.shape_cast %get3A_148 : vector<1x1x16xf32> to vector<16xf32>
      %gt3A_150 = arith.cmpf ogt, %get3A_149, %scan3A_103 : vector<16xf32>
      %max3A_151 = arith.maximumf %scan3A_103, %get3A_149 : vector<16xf32>
      %select_n3A_152 = arith.select %gt3A_150, %scan3A_115, %scan3A_109 : vector<16xi1>, vector<16xi32>
      %add3A_153 = arith.constant 2912 : i32
      %add3A_154 = vector.broadcast %add3A_153 : i32 to vector<16xi32>
      %add3A_155 = arith.addi %scan3A_115, %add3A_154 : vector<16xi32>
      %mul3A_156 = arith.constant 2 : i32
      %mul3A_157 = arith.muli %scan3A_101, %mul3A_156 : i32
      %add3A_158 = arith.constant 0 : i32
      %add3A_159 = arith.addi %mul3A_157, %add3A_158 : i32
      %mul3A_160 = arith.constant 16 : i32
      %mul3A_161 = arith.muli %add3A_159, %mul3A_160 : i32
      %get3A_162 = arith.constant 0 : i32
      %get3A_163 = arith.constant 0 : i32
      %get3A_164 = arith.index_cast %get3A_162 : i32 to index
      %get3A_165 = arith.index_cast %get3A_163 : i32 to index
      %get3A_166 = arith.index_cast %mul3A_161 : i32 to index
      %get3A_167 = tpu.vector_load %arg6[%get3A_164, %get3A_165, %get3A_166] {strides = array<i32>} : memref<1x1x20000xf32, #tpu.memory_space<vmem>>, vector<1x1x16xf32>,
      %get3A_168 = vector.shape_cast %get3A_167 : vector<1x1x16xf32> to vector<16xf32>
      %gt3A_169 = arith.cmpf ogt, %get3A_168, %scan3A_104 : vector<16xf32>
      %max3A_170 = arith.maximumf %scan3A_104, %get3A_168 : vector<16xf32>
      %select_n3A_171 = arith.select %gt3A_169, %scan3A_116, %scan3A_110 : vector<16xi1>, vector<16xi32>
      %add3A_172 = arith.constant 2912 : i32
      %add3A_173 = vector.broadcast %add3A_172 : i32 to vector<16xi32>
      %add3A_174 = arith.addi %scan3A_116, %add3A_173 : vector<16xi32>
      %mul3A_175 = arith.constant 2 : i32
      %mul3A_176 = arith.muli %scan3A_101, %mul3A_175 : i32
      %add3A_177 = arith.constant 1 : i32
      %add3A_178 = arith.addi %mul3A_176, %add3A_177 : i32
      %mul3A_179 = arith.constant 16 : i32
      %mul3A_180 = arith.muli %add3A_178, %mul3A_179 : i32
      %get3A_181 = arith.constant 0 : i32
      %get3A_182 = arith.constant 0 : i32
      %get3A_183 = arith.index_cast %get3A_181 : i32 to index
      %get3A_184 = arith.index_cast %get3A_182 : i32 to index
      %get3A_185 = arith.index_cast %mul3A_180 : i32 to index
      %get3A_186 = tpu.vector_load %arg6[%get3A_183, %get3A_184, %get3A_185] {strides = array<i32>} : memref<1x1x20000xf32, #tpu.memory_space<vmem>>, vector<1x1x16xf32>,
      %get3A_187 = vector.shape_cast %get3A_186 : vector<1x1x16xf32> to vector<16xf32>
      %gt3A_188 = arith.cmpf ogt, %get3A_187, %scan3A_105 : vector<16xf32>
      %max3A_189 = arith.maximumf %scan3A_105, %get3A_187 : vector<16xf32>
      %select_n3A_190 = arith.select %gt3A_188, %scan3A_117, %scan3A_111 : vector<16xi1>, vector<16xi32>
      %add3A_191 = arith.constant 2912 : i32
      %add3A_192 = vector.broadcast %add3A_191 : i32 to vector<16xi32>
      %add3A_193 = arith.addi %scan3A_117, %add3A_192 : vector<16xi32>
      %mul3A_194 = arith.constant 2 : i32
      %mul3A_195 = arith.muli %scan3A_101, %mul3A_194 : i32
      %add3A_196 = arith.constant 0 : i32
      %add3A_197 = arith.addi %mul3A_195, %add3A_196 : i32
      %mul3A_198 = arith.constant 16 : i32
      %mul3A_199 = arith.muli %add3A_197, %mul3A_198 : i32
      %get3A_200 = arith.constant 0 : i32
      %get3A_201 = arith.constant 0 : i32
      %get3A_202 = arith.index_cast %get3A_200 : i32 to index
      %get3A_203 = arith.index_cast %get3A_201 : i32 to index
      %get3A_204 = arith.index_cast %mul3A_199 : i32 to index
      %get3A_205 = tpu.vector_load %arg7[%get3A_202, %get3A_203, %get3A_204] {strides = array<i32>} : memref<1x1x20000xf32, #tpu.memory_space<vmem>>, vector<1x1x16xf32>,
      %get3A_206 = vector.shape_cast %get3A_205 : vector<1x1x16xf32> to vector<16xf32>
      %gt3A_207 = arith.cmpf ogt, %get3A_206, %scan3A_106 : vector<16xf32>
      %max3A_208 = arith.maximumf %scan3A_106, %get3A_206 : vector<16xf32>
      %select_n3A_209 = arith.select %gt3A_207, %scan3A_118, %scan3A_112 : vector<16xi1>, vector<16xi32>
      %add3A_210 = arith.constant 2912 : i32
      %add3A_211 = vector.broadcast %add3A_210 : i32 to vector<16xi32>
      %add3A_212 = arith.addi %scan3A_118, %add3A_211 : vector<16xi32>
      %mul3A_213 = arith.constant 2 : i32
      %mul3A_214 = arith.muli %scan3A_101, %mul3A_213 : i32
      %add3A_215 = arith.constant 1 : i32
      %add3A_216 = arith.addi %mul3A_214, %add3A_215 : i32
      %mul3A_217 = arith.constant 16 : i32
      %mul3A_218 = arith.muli %add3A_216, %mul3A_217 : i32
      %get3A_219 = arith.constant 0 : i32
      %get3A_220 = arith.constant 0 : i32
      %get3A_221 = arith.index_cast %get3A_219 : i32 to index
      %get3A_222 = arith.index_cast %get3A_220 : i32 to index
      %get3A_223 = arith.index_cast %mul3A_218 : i32 to index
      %get3A_224 = tpu.vector_load %arg7[%get3A_221, %get3A_222, %get3A_223] {strides = array<i32>} : memref<1x1x20000xf32, #tpu.memory_space<vmem>>, vector<1x1x16xf32>,
      %get3A_225 = vector.shape_cast %get3A_224 : vector<1x1x16xf32> to vector<16xf32>
      %gt3A_226 = arith.cmpf ogt, %get3A_225, %scan3A_107 : vector<16xf32>
      %max3A_227 = arith.maximumf %scan3A_107, %get3A_225 : vector<16xf32>
      %select_n3A_228 = arith.select %gt3A_226, %scan3A_119, %scan3A_113 : vector<16xi1>, vector<16xi32>
      %add3A_229 = arith.constant 2912 : i32
      %add3A_230 = vector.broadcast %add3A_229 : i32 to vector<16xi32>
      %add3A_231 = arith.addi %scan3A_119, %add3A_230 : vector<16xi32>
      scf.yield %max3A, %max3A_151, %max3A_170, %max3A_189, %max3A_208, %max3A_227, %select_n3A_133, %select_n3A_152, %select_n3A_171, %select_n3A_190, %select_n3A_209, %select_n3A_228, %add3A_136, %add3A_155, %add3A_174, %add3A_193, %add3A_212, %add3A_231 : vector<16xf32>, vector<16xf32>, vector<16xf32>, vector<16xf32>, vector<16xf32>, vector<16xf32>, vector<16xi32>, vector<16xi32>, vector<16xi32>, vector<16xi32>, vector<16xi32>, vector<16xi32>, vector<16xi32>, vector<16xi32>, vector<16xi32>, vector<16xi32>, vector<16xi32>, vector<16xi32>
    }
    %scan3A_60 = arith.constant 625 : i32
    %gt3A = arith.cmpf ogt, %scan3A_59#1, %scan3A_59#0 : vector<16xf32>
    %eq3A = arith.cmpf oeq, %scan3A_59#1, %scan3A_59#0 : vector<16xf32>
    %lt3A = arith.cmpi slt, %scan3A_59#7, %scan3A_59#6 : vector<16xi32>
    %and3A = arith.andi %eq3A, %lt3A : vector<16xi1>
    %or3A = arith.ori %gt3A, %and3A : vector<16xi1>
    %select_n3A = arith.select %or3A, %scan3A_59#1, %scan3A_59#0 : vector<16xi1>, vector<16xf32>
    %select_n3A_61 = arith.select %or3A, %scan3A_59#7, %scan3A_59#6 : vector<16xi1>, vector<16xi32>
    %gt3A_62 = arith.cmpf ogt, %scan3A_59#3, %scan3A_59#2 : vector<16xf32>
    %eq3A_63 = arith.cmpf oeq, %scan3A_59#3, %scan3A_59#2 : vector<16xf32>
    %lt3A_64 = arith.cmpi slt, %scan3A_59#9, %scan3A_59#8 : vector<16xi32>
    %and3A_65 = arith.andi %eq3A_63, %lt3A_64 : vector<16xi1>
    %or3A_66 = arith.ori %gt3A_62, %and3A_65 : vector<16xi1>
    %select_n3A_67 = arith.select %or3A_66, %scan3A_59#3, %scan3A_59#2 : vector<16xi1>, vector<16xf32>
    %select_n3A_68 = arith.select %or3A_66, %scan3A_59#9, %scan3A_59#8 : vector<16xi1>, vector<16xi32>
    %gt3A_69 = arith.cmpf ogt, %scan3A_59#5, %scan3A_59#4 : vector<16xf32>
    %eq3A_70 = arith.cmpf oeq, %scan3A_59#5, %scan3A_59#4 : vector<16xf32>
    %lt3A_71 = arith.cmpi slt, %scan3A_59#11, %scan3A_59#10 : vector<16xi32>
    %and3A_72 = arith.andi %eq3A_70, %lt3A_71 : vector<16xi1>
    %or3A_73 = arith.ori %gt3A_69, %and3A_72 : vector<16xi1>
    %select_n3A_74 = arith.select %or3A_73, %scan3A_59#5, %scan3A_59#4 : vector<16xi1>, vector<16xf32>
    %select_n3A_75 = arith.select %or3A_73, %scan3A_59#11, %scan3A_59#10 : vector<16xi1>, vector<16xi32>
    %gt3A_76 = arith.cmpf ogt, %select_n3A_67, %select_n3A : vector<16xf32>
    %eq3A_77 = arith.cmpf oeq, %select_n3A_67, %select_n3A : vector<16xf32>
    %lt3A_78 = arith.cmpi slt, %select_n3A_68, %select_n3A_61 : vector<16xi32>
    %and3A_79 = arith.andi %eq3A_77, %lt3A_78 : vector<16xi1>
    %or3A_80 = arith.ori %gt3A_76, %and3A_79 : vector<16xi1>
    %select_n3A_81 = arith.select %or3A_80, %select_n3A_67, %select_n3A : vector<16xi1>, vector<16xf32>
    %select_n3A_82 = arith.select %or3A_80, %select_n3A_68, %select_n3A_61 : vector<16xi1>, vector<16xi32>
    %gt3A_83 = arith.cmpf ogt, %select_n3A_74, %select_n3A_81 : vector<16xf32>
    %eq3A_84 = arith.cmpf oeq, %select_n3A_74, %select_n3A_81 : vector<16xf32>
    %lt3A_85 = arith.cmpi slt, %select_n3A_75, %select_n3A_82 : vector<16xi32>
    %and3A_86 = arith.andi %eq3A_84, %lt3A_85 : vector<16xi1>
    %or3A_87 = arith.ori %gt3A_83, %and3A_86 : vector<16xi1>
    %select_n3A_88 = arith.select %or3A_87, %select_n3A_74, %select_n3A_81 : vector<16xi1>, vector<16xf32>
    %select_n3A_89 = arith.select %or3A_87, %select_n3A_75, %select_n3A_82 : vector<16xi1>, vector<16xi32>
    %swap3A = arith.constant 0 : index
    %swap3A_90 = tpu.vector_load %arg8[%swap3A] {strides = array<i32>} : memref<16xf32, #tpu.memory_space<vmem>>, vector<16xf32>,
    %swap3A_91 = vector.shape_cast %swap3A_90 : vector<16xf32> to vector<16xf32>
    %swap3A_92 = vector.shape_cast %select_n3A_88 : vector<16xf32> to vector<16xf32>
    tpu.vector_store %arg8[%swap3A], %swap3A_92 {strides = array<i32>} : memref<16xf32, #tpu.memory_space<vmem>>, vector<16xf32>,
    %swap3A_93 = arith.constant 0 : index
    %swap3A_94 = tpu.vector_load %arg9[%swap3A_93] {strides = array<i32>} : memref<16xi32, #tpu.memory_space<vmem>>, vector<16xi32>,
    %swap3A_95 = vector.shape_cast %swap3A_94 : vector<16xi32> to vector<16xi32>
    %swap3A_96 = vector.shape_cast %select_n3A_89 : vector<16xi32> to vector<16xi32>
    tpu.vector_store %arg9[%swap3A_93], %swap3A_96 {strides = array<i32>} : memref<16xi32, #tpu.memory_space<vmem>>, vector<16xi32>,
    %mul3A_97 = arith.constant 16 : i32
    %mul3A_98 = arith.muli %add3A, %mul3A_97 : i32
    "tpu.region"() ({
      %run_scoped3A = tpu.sem_alloc : memref<!tpu.dma_semaphore, #tpu.memory_space<semaphore_mem>>
      %dma_start3A = tpu.memref_slice %arg3[%mul3A_98] : memref<512xf32, #tpu.memory_space<hbm>> -> memref<16xf32, #tpu.memory_space<hbm>>
      %dma_start3A_101 = tpu.memref_slice %arg3[%mul3A_98] : memref<512xf32, #tpu.memory_space<hbm>> -> memref<16xf32, #tpu.memory_space<hbm>>
      tpu.enqueue_dma source(%arg8 : memref<16xf32, #tpu.memory_space<vmem>>) target(%dma_start3A_101 : memref<16xf32, #tpu.memory_space<hbm>>) target_semaphore(%run_scoped3A : memref<!tpu.dma_semaphore, #tpu.memory_space<semaphore_mem>>)
      %dma_wait3A = tpu.memref_slice %arg3[%mul3A_98] : memref<512xf32, #tpu.memory_space<hbm>> -> memref<16xf32, #tpu.memory_space<hbm>>
      %dma_wait3A_102 = tpu.memref_slice %arg3[%mul3A_98] : memref<512xf32, #tpu.memory_space<hbm>> -> memref<16xf32, #tpu.memory_space<hbm>>
      tpu.wait_dma2 semaphore(%run_scoped3A : memref<!tpu.dma_semaphore, #tpu.memory_space<semaphore_mem>>) src(%arg8 : memref<16xf32, #tpu.memory_space<vmem>>) dst(%dma_wait3A_102 : memref<16xf32, #tpu.memory_space<hbm>>)
      tpu.yield
    }) : () -> ()
    %mul3A_99 = arith.constant 16 : i32
    %mul3A_100 = arith.muli %add3A, %mul3A_99 : i32
    "tpu.region"() ({
      %run_scoped3A = tpu.sem_alloc : memref<!tpu.dma_semaphore, #tpu.memory_space<semaphore_mem>>
      %dma_start3A = tpu.memref_slice %arg4[%mul3A_100] : memref<512xi32, #tpu.memory_space<hbm>> -> memref<16xi32, #tpu.memory_space<hbm>>
      %dma_start3A_101 = tpu.memref_slice %arg4[%mul3A_100] : memref<512xi32, #tpu.memory_space<hbm>> -> memref<16xi32, #tpu.memory_space<hbm>>
      tpu.enqueue_dma source(%arg9 : memref<16xi32, #tpu.memory_space<vmem>>) target(%dma_start3A_101 : memref<16xi32, #tpu.memory_space<hbm>>) target_semaphore(%run_scoped3A : memref<!tpu.dma_semaphore, #tpu.memory_space<semaphore_mem>>)
      %dma_wait3A = tpu.memref_slice %arg4[%mul3A_100] : memref<512xi32, #tpu.memory_space<hbm>> -> memref<16xi32, #tpu.memory_space<hbm>>
      %dma_wait3A_102 = tpu.memref_slice %arg4[%mul3A_100] : memref<512xi32, #tpu.memory_space<hbm>> -> memref<16xi32, #tpu.memory_space<hbm>>
      tpu.wait_dma2 semaphore(%run_scoped3A : memref<!tpu.dma_semaphore, #tpu.memory_space<semaphore_mem>>) src(%arg9 : memref<16xi32, #tpu.memory_space<vmem>>) dst(%dma_wait3A_102 : memref<16xi32, #tpu.memory_space<hbm>>)
      tpu.yield
    }) : () -> ()
    return
  }
}

module attributes {stable_mosaic.version = 14 : i64} {
  func.func @_tc_finish_body(%arg0: memref<4x128xf32, #tpu.memory_space<vmem>>, %arg1: memref<4x128xi32, #tpu.memory_space<vmem>>, %arg2: memref<1x1xf32, #tpu.memory_space<vmem>>, %arg3: memref<1x1xi32, #tpu.memory_space<vmem>>) attributes {dimension_semantics = [], scalar_prefetch = 0 : i64, scratch_operands = 0 : i64, tpu.core_type = #tpu.core_type<tc>} {
    %get3A = arith.constant 0 : index
    %get3A_0 = arith.constant 0 : index
    %get3A_1 = vector.load %arg0[%get3A, %get3A_0] : memref<4x128xf32, #tpu.memory_space<vmem>>, vector<4x128xf32>
    %get3A_2 = arith.constant 0 : index
    %get3A_3 = arith.constant 0 : index
    %get3A_4 = vector.load %arg1[%get3A_2, %get3A_3] : memref<4x128xi32, #tpu.memory_space<vmem>>, vector<4x128xi32>
    %reduce_max3A = vector.shape_cast %get3A_1 : vector<4x128xf32> to vector<1x4x128xf32>
    %reduce_max3A_5 = arith.constant dense<0xFF800000> : vector<1xf32>
    %reduce_max3A_6 = vector.multi_reduction <maximumf>, %reduce_max3A, %reduce_max3A_5 [1, 2] : vector<1x4x128xf32> to vector<1xf32>
    %reduce_max3A_7 = vector.shape_cast %reduce_max3A_6 : vector<1xf32> to vector<1x1x1xf32>
    %reduce_max3A_8 = vector.extract %reduce_max3A_7[0, 0, 0] : f32 from vector<1x1x1xf32>
    %eq3A = vector.broadcast %reduce_max3A_8 : f32 to vector<4x128xf32>
    %eq3A_9 = arith.cmpf oeq, %get3A_1, %eq3A : vector<4x128xf32>
    %jit3A = arith.constant 2147483647 : i32
    %broadcast_in_dim3A = vector.broadcast %jit3A : i32 to vector<4x128xi32>
    %select_n3A = arith.select %eq3A_9, %get3A_4, %broadcast_in_dim3A : vector<4x128xi1>, vector<4x128xi32>
    %reduce_min3A = vector.shape_cast %select_n3A : vector<4x128xi32> to vector<1x4x128xi32>
    %reduce_min3A_10 = arith.constant dense<2147483647> : vector<1xi32>
    %reduce_min3A_11 = vector.multi_reduction <minsi>, %reduce_min3A, %reduce_min3A_10 [1, 2] : vector<1x4x128xi32> to vector<1xi32>
    %reduce_min3A_12 = vector.shape_cast %reduce_min3A_11 : vector<1xi32> to vector<1x1x1xi32>
    %reduce_min3A_13 = vector.extract %reduce_min3A_12[0, 0, 0] : i32 from vector<1x1x1xi32>
    %broadcast_in_dim3A_14 = vector.broadcast %reduce_min3A_13 : i32 to vector<1x1xi32>
    %reduce_max3A_15 = vector.shape_cast %get3A_1 : vector<4x128xf32> to vector<1x4x128xf32>
    %reduce_max3A_16 = arith.constant dense<0xFF800000> : vector<1xf32>
    %reduce_max3A_17 = vector.multi_reduction <maximumf>, %reduce_max3A_15, %reduce_max3A_16 [1, 2] : vector<1x4x128xf32> to vector<1xf32>
    %reduce_max3A_18 = vector.shape_cast %reduce_max3A_17 : vector<1xf32> to vector<1x1x1xf32>
    %reduce_max3A_19 = vector.extract %reduce_max3A_18[0, 0, 0] : f32 from vector<1x1x1xf32>
    %broadcast_in_dim3A_20 = vector.broadcast %reduce_max3A_19 : f32 to vector<1x1xf32>
    %neg3A = arith.constant 0.000000e+00 : f32
    %neg3A_21 = vector.broadcast %neg3A : f32 to vector<1x1xf32>
    %neg3A_22 = arith.subf %neg3A_21, %broadcast_in_dim3A_20 : vector<1x1xf32>
    %exp3A = math.exp %neg3A_22 : vector<1x1xf32>
    %add3A = arith.constant 1.000000e+00 : f32
    %add3A_23 = vector.broadcast %add3A : f32 to vector<1x1xf32>
    %add3A_24 = arith.addf %add3A_23, %exp3A : vector<1x1xf32>
    %div3A = arith.constant 1.000000e+00 : f32
    %div3A_25 = vector.broadcast %div3A : f32 to vector<1x1xf32>
    %div3A_26 = arith.divf %div3A_25, %add3A_24 : vector<1x1xf32>
    %swap3A = arith.constant 0 : index
    %swap3A_27 = arith.constant 0 : index
    %swap3A_28 = vector.load %arg2[%swap3A, %swap3A_27] : memref<1x1xf32, #tpu.memory_space<vmem>>, vector<1x1xf32>
    tpu.vector_store %arg2[%swap3A, %swap3A_27], %div3A_26 {strides = array<i32>} : memref<1x1xf32, #tpu.memory_space<vmem>>, vector<1x1xf32>,
    %jit3A_29 = arith.constant 91 : i32
    %eq3A_30 = arith.constant 0 : i32
    %eq3A_31 = arith.cmpi eq, %jit3A_29, %eq3A_30 : i32
    %jit3A_32 = arith.constant 1 : i32
    %select_n3A_33 = arith.select %eq3A_31, %jit3A_32, %jit3A_29 : i32
    %rem3A = vector.broadcast %select_n3A_33 : i32 to vector<1x1xi32>
    %rem3A_34 = arith.remsi %broadcast_in_dim3A_14, %rem3A : vector<1x1xi32>
    %ne3A = arith.constant 0 : i32
    %ne3A_35 = vector.broadcast %ne3A : i32 to vector<1x1xi32>
    %ne3A_36 = arith.cmpi ne, %rem3A_34, %ne3A_35 : vector<1x1xi32>
    %lt3A = arith.constant 0 : i32
    %lt3A_37 = vector.broadcast %lt3A : i32 to vector<1x1xi32>
    %lt3A_38 = arith.cmpi slt, %rem3A_34, %lt3A_37 : vector<1x1xi32>
    %lt3A_39 = arith.constant 0 : i32
    %lt3A_40 = arith.cmpi slt, %select_n3A_33, %lt3A_39 : i32
    %ne3A_41 = vector.broadcast %lt3A_40 : i1 to vector<1x1xi1>
    %ne3A_42 = vector.broadcast %ne3A_41 : vector<1x1xi1> to vector<1x1xi1>
    %ne3A_43 = arith.xori %lt3A_38, %ne3A_42 : vector<1x1xi1>
    %and3A = arith.andi %ne3A_43, %ne3A_36 : vector<1x1xi1>
    %add3A_44 = vector.broadcast %select_n3A_33 : i32 to vector<1x1xi32>
    %add3A_45 = arith.addi %rem3A_34, %add3A_44 : vector<1x1xi32>
    %select_n3A_46 = arith.select %and3A, %add3A_45, %rem3A_34 : vector<1x1xi1>, vector<1x1xi32>
    %swap3A_47 = arith.constant 0 : index
    %swap3A_48 = arith.constant 0 : index
    %swap3A_49 = vector.load %arg3[%swap3A_47, %swap3A_48] : memref<1x1xi32, #tpu.memory_space<vmem>>, vector<1x1xi32>
    tpu.vector_store %arg3[%swap3A_47, %swap3A_48], %select_n3A_46 {strides = array<i32>} : memref<1x1xi32, #tpu.memory_space<vmem>>, vector<1x1xi32>,
    return
  }
}

</mosaic_0001>

<sc_bundles>
// kernel: sc_argmax_scan.3.cloned.1.call-start
scs
__scs_entry_jumppad:
0x0: {  	(pc) =	sbr.rel $0x88, $3  }
0x1: {  	(tag) =	ssettag $0x0;
	lr =	simm.s32 $0x1  }
0x2: {  	[smem:$0x3FA0] =	sst lr;
	_ =	strace $0xD0000000  }
0x3: {  	_ = 	snop  }
0x4: {  	_ = 	snop  }
0x5: {  	_ = 	snop  }
0x6: {  	_ = 	snop  }
0x7: {  	_ = 	snop  }
__scs_overlays_trampoline_lowered:
0x8: {  	[smem:$0x3FAF] =	sst s0  }
0x9: {  	[smem:$0x3FB0] =	sst s1  }
0xa: {  	[smem:$0x3FB1] =	sst s2  }
0xb: {  	[smem:$0x3FB2] =	sst s3  }
0xc: {  	[smem:$0x3FB3] =	sst s4  }
0xd: {  	[smem:$0x3FB4] =	sst s5  }
0xe: {  	[smem:$0x3FB5] =	sst s6  }
0xf: {  	[smem:$0x3FB6] =	sst s7  }
0x10: {  	[smem:$0x3FB7] =	sst s8  }
0x11: {  	[smem:$0x3FB8] =	sst s9;
	s0 =	simm.s32 @!p0 $0x0  }
0x12: {  	s1 =	sld [smem:$0x3F9E];
	s0 =	simm.s32 @p0 $0x1  }
0x13: {  	[smem:$0x3FB9] =	sst s0;
	s0 =	simm.s32 @!p1 $0x0  }
0x14: {  	s2 =	sld [smem:$0x3F9D];
	s0 =	simm.s32 @p1 $0x1  }
0x15: {  	[smem:$0x3FBA] =	sst s0;
	s0 =	simm.s32 @!p2 $0x0  }
0x16: {  	s3 =	sld [smem:$0x3FDB];
	s0 =	simm.s32 @p2 $0x1  }
0x17: {  	s4 =	simm.s32 $0x1BF5;
	[smem:$0x3FBC] =	sst s0  }
0x18: {  	s0 =	sld [smem:$0x3F9F];
	_ =	swait.ge [sflag:s4], $0x0  }
0x19: {  	s7 =	sld [smem:$0x3FA0]  }
0x1a: {  	s8 =	sadd.s32 $0xFFFFE003, lr  }
0x1b: {  	s9 =	sadd.s32 $0xFFFFFEF7, lr;
	s5 =	simm.s32 $0xFFFFFFFF;
	p2 =	slt.u32 s8, $0xFFFFF086  }
0x1c: {  	p1 =	slt.u32 s9, $0xF7A;
	s5 =	simm.s32 @!p2 $0x0  }
0x1d: {  	s5 =	simm.s32 @p1 $0x1;
	p0 =	seq.s32 s7, s2  }
0x1e: {  	s7 =	smul.u32 @!p0 $0xF7A, s2;
	p2 =	seq.s32 @!p0 s5, $0x0  }
0x1f: {  	s9 =	smul.u32 $0xF7A, s1;
	s8 =	simm.s32 @!p0 $0x1BF5;
	p2 =	por !p2, p0  }
0x20: {  	[sflag:s8] =	ssyncset.s32 @!p0 $0xFFFFF086;
	s6 =	sadd.s32 @!p0 s3, s7;
	s7 =	simm.s32 @!p0 $0x108  }
0x21: {  	s3 =	sadd.s32 s3, s9;
	s6 =	sadd.s32 @!p0 $0x88, s6;
	s7 =	simm.s32 @p2 $0x1082  }
0x22: {  	[simem:s7], [sflag:s8] =	dma.local @!p0 [hbm:s6], $0xF7A  }
0x23: {  	s9 =	sor.u32 $0xD0000000, s2;
	s6 =	simm.s32 $0x108;
	_ =	swait.ge @!p0 [sflag:s8], $0x0  }
0x24: {  	s3 =	sadd.s32 $0x88, s3;
	s6 =	simm.s32 @!p1 $0x1082;
	[sflag:s4] =	ssyncset.s32 $0xFFFFF086  }
0x25: {  	[simem:s6], [sflag:s4] =	dma.local [hbm:s3], $0xF7A  }
0x26: {  	[smem:$0x3FA0] =	sst s1;
	(tag) =	ssettag s2;
	_ =	strace s9  }
0x27: {  	s1 =	sld [smem:$0x3FB0]  }
0x28: {  	s2 =	sld [smem:$0x3FB1]  }
0x29: {  	s4 =	sld [smem:$0x3FB3]  }
0x2a: {  	p0 =	seq.s32 s5, $0x0;
	s5 =	sld [smem:$0x3FB4]  }
0x2b: {  	s6 =	sld [smem:$0x3FB5]  }
0x2c: {  	s7 =	sld [smem:$0x3FB6]  }
0x2d: {  	s3 =	simm.s32 $0x108;
	s8 =	sld [smem:$0x3FB7]  }
0x2e: {  	s3 =	simm.s32 @!p0 $0x1082;
	s9 =	sld [smem:$0x3FB8]  }
0x2f: {  	lr =	sadd.s32 s0, s3;
	s0 =	sld [smem:$0x3FAF]  }
0x30: {  	s3 =	sld [smem:$0x3FB2]  }
0x31: {  	[smem:$0x3FBB] =	sst s10  }
0x32: {  	s10 =	sld [smem:$0x3FB9];
	_ =	sdelay $0x3  }
0x33: {  	p0 =	seq.s32 s10, $0x1;
	s10 =	sld [smem:$0x3FBB];
	_ =	sdelay $0x3  }
0x34: {  	[smem:$0x3FBB] =	sst s10  }
0x35: {  	s10 =	sld [smem:$0x3FBA];
	_ =	sdelay $0x3  }
0x36: {  	p1 =	seq.s32 s10, $0x1;
	s10 =	sld [smem:$0x3FBB];
	_ =	sdelay $0x3  }
0x37: {  	[smem:$0x3FBB] =	sst s10  }
0x38: {  	s10 =	sld [smem:$0x3FBC]  }
0x39: {  	_ = 	snop;
	(pc) =	sbr.ind lr, $3  }
0x3a: {  	_ = 	snop  }
0x3b: {  	_ = 	snop  }
0x3c: {  	p2 =	seq.s32 s10, $0x1;
	s10 =	sld [smem:$0x3FBB]  }
0x3d: {  	_ =	shalt  }
0x3e: {  	_ =	shalt  }
0x3f: {  	_ =	shalt  }
0x40: {  	_ =	shalt  }
0x41: {  	_ =	shalt  }
0x42: {  	_ =	shalt  }
0x43: {  	_ =	shalt  }
0x44: {  	_ =	shalt  }
0x45: {  	_ =	shalt  }
0x46: {  	_ =	shalt  }
0x47: {  	_ =	shalt  }
0x48: {  	_ =	shalt  }
0x49: {  	_ =	shalt  }
0x4a: {  	_ =	shalt  }
0x4b: {  	_ =	shalt  }
0x4c: {  	_ =	shalt  }
0x4d: {  	_ =	shalt  }
0x4e: {  	_ =	shalt  }
0x4f: {  	_ =	shalt  }
0x50: {  	_ =	shalt  }
0x51: {  	_ =	shalt  }
0x52: {  	_ =	shalt  }
0x53: {  	_ =	shalt  }
0x54: {  	_ =	shalt  }
0x55: {  	_ =	shalt  }
0x56: {  	_ =	shalt  }
0x57: {  	_ =	shalt  }
0x58: {  	_ =	shalt  }
0x59: {  	_ =	shalt  }
0x5a: {  	_ =	shalt  }
0x5b: {  	_ =	shalt  }
0x5c: {  	_ =	shalt  }
0x5d: {  	_ =	shalt  }
0x5e: {  	_ =	shalt  }
0x5f: {  	_ =	shalt  }
0x60: {  	_ =	shalt  }
0x61: {  	_ =	shalt  }
0x62: {  	_ =	shalt  }
0x63: {  	_ =	shalt  }
0x64: {  	_ =	shalt  }
0x65: {  	_ =	shalt  }
0x66: {  	_ =	shalt  }
0x67: {  	_ =	shalt  }
0x68: {  	_ =	shalt  }
0x69: {  	_ =	shalt  }
0x6a: {  	_ =	shalt  }
0x6b: {  	_ =	shalt  }
0x6c: {  	_ =	shalt  }
0x6d: {  	_ =	shalt  }
0x6e: {  	_ =	shalt  }
0x6f: {  	_ =	shalt  }
0x70: {  	_ =	shalt  }
0x71: {  	_ =	shalt  }
0x72: {  	_ =	shalt  }
0x73: {  	_ =	shalt  }
0x74: {  	_ =	shalt  }
0x75: {  	_ =	shalt  }
0x76: {  	_ =	shalt  }
0x77: {  	_ =	shalt  }
0x78: {  	_ =	shalt  }
0x79: {  	_ =	shalt  }
0x7a: {  	_ =	shalt  }
0x7b: {  	_ =	shalt  }
0x7c: {  	_ =	shalt  }
0x7d: {  	_ =	shalt  }
0x7e: {  	_ =	shalt  }
0x7f: {  	_ =	shalt  }
0x80: {  	_ =	shalt  }
0x81: {  	_ =	shalt  }
0x82: {  	_ =	shalt  }
0x83: {  	_ =	shalt  }
0x84: {  	_ =	shalt  }
0x85: {  	_ =	shalt  }
0x86: {  	_ =	shalt  }
0x87: {  	_ =	shalt  }
.Lfunc_end0:
.L_simem_size_0:
called_computation_lowered:
.L_overlay_start_0:
0x88: {  	s2 =	sld [smem:$0x3FD9]  }
0x89: {  	s3 =	sld [smem:$0x3FFE];
	_ =	sdelay $0x1  }
0x8a: {  	s1 =	srdreg.scid  }
0x8b: {  	s0 =	sand.u32 $0x1, s1  }
0x8c: {  	s17 =	sshll.u32 s0, $0xA;
	s2 =	sadd.s32 s3, s2  }
0x8d: {  	s2 =	sadd.s32 s2, s17  }
0x8e: {  	[smem:$0x3FC7] =	sst s2  }
0x8f: {  	_ = 	snop  }
0x90: {  	s2 =	sld [smem:$0x3FC9];
	(tm) =	ssettm $0x1  }
0x91: {  	s18 =	sld [smem:$0x3FFB];
	_ =	sdelay $0x3  }
0x92: {  	_ =	strace s18  }
0x93: {  	s3 =	sld [smem:$0x3FFC];
	_ =	sdelay $0x3  }
0x94: {  	_ =	strace s3  }
0x95: {  	s3 =	sld [smem:$0x3FFD];
	_ =	sdelay $0x3  }
0x96: {  	_ =	strace s3  }
0x97: {  	_ =	strace $0x8FFFFFFF  }
0x98: {  	s19 =	sld [smem:$0x3FDB];
	_ =	sdelay $0x1  }
0x99: {  	s4 =	simm.s32 $_scs_section_size  }
0x9a: {  	s5 =	simm.s32 $_size__tile_overlayer_lowered;
	s6 =	simm.s32 $_tile_overlayer_lowered  }
0x9b: {  	s22 =	simm.s32 $0x1BFF;
	s21 =	sshll.u32 s6, $0x1;
	s3 =	sadd.s32 s4, s19  }
0x9c: {  	s7 =	simm.s32 $0x0;
	s20 =	sshll.u32 s5, $0x1;
	s5 =	sadd.s32 s21, s3  }
0x9d: {  	[timem:s7], [sflag:s22] =	dma.local [hbm:s5], s20  }
0x9e: {  	_ =	swait.ge [sflag:s22], s20  }
0x9f: {  	s4 =	ssub.s32 $0x0, s20;
	[sflag:s22] =	ssyncset.done $0x0  }
0xa0: {  	[sflag:s22] =	ssyncadd.s32 s4;
	_ =	sdelay $0x1  }
0xa1: {  	s23 =	simm.s32 $0x1B8B  }
0xa2: {  	_ =	swait.ge [sflag:s23], $0x1  }
0xa3: {  	[sflag:s23] =	ssyncset.done $0x0  }
0xa4: {  	s25 =	simm.s32 $0x1B8E;
	s24 =	sld [smem:$0x3FFE];
	[sflag:s23] =	ssyncadd.s32 $0xFFFFFFFF  }
0xa5: {  	s26 =	simm.s32 $execute0_lowered;
	[smem:$0x3FD2] =	sst s25  }
0xa6: {  	s5 =	sshll.u32 s26, $0x1;
	_ =	strace $0x80000046;
	[dreg:$0x1] =	wrdreg $0xFFFFFFFF  }
0xa7: {  	s28 =	simm.s32 $_size_execute0_lowered;
	s3 =	sadd.s32 s3, s5;
	[dreg:$0x0] =	wrdreg $0x0  }
0xa8: {  	s5 =	sshll.u32 s28, $0x1;
	[dreg:$0x2] =	wrdreg s3  }
0xa9: {  	[dreg:$0x3] =	wrdreg s5  }
0xaa: {  	[dreg:$0x4] =	wrdreg $0xC0  }
0xab: {  	_ =	task [dreg:s7], $0x5FFFF  }
0xac: {  	[dreg:$0x1] =	wrdreg $0xFFFFFFFF  }
0xad: {  	[dreg:$0x0] =	wrdreg $0x60  }
0xae: {  	[dreg:$0x2] =	wrdreg s2  }
0xaf: {  	[dreg:$0x3] =	wrdreg s24  }
0xb0: {  	[dreg:$0x4] =	wrdreg $0x9  }
0xb1: {  	_ =	task.clear_ibuf [dreg:s7], $0x5FFFF;
	_ =	strace $0x90000046  }
0xb2: {  	s29 =	simm.s32 $0x9;
	_ =	strace $0x80000048  }
0xb3: {  	_ =	swait.ge [sflag:s29], $0x1  }
0xb4: {  	[sflag:s29] =	ssyncadd.s32 $0xFFFFFFFF  }
0xb5: {  	_ =	strace $0x90000048  }
0xb6: {  	_ =	sfence  }
0xb7: {  	s30 =	sld [smem:$0x0];
	_ =	sdelay $0x2  }
0xb8: {  	s31 =	sshll.u32 s1, $0xD;
	s1 =	sshrl.u32 s1, $0x2  }
0xb9: {  	s3 =	sand.u32 $0x4000, s31;
	s1 =	sadd.s32 s1, s30  }
0xba: {  	s0 =	sor.u32 s3, s0;
	s1 =	sshll.u32 s1, $0x11  }
0xbb: {  	s0 =	sor.u32 s1, s0  }
0xbc: {  	s0 =	sadd.s32 $0x8F2B, s0  }
0xbd: {  	[sflag:s0] =	ssyncadd.remote.s32 $0x1  }
0xbe: {  	_ =	sfence.sel $0xFFFF  }
0xbf: {  	[dreg:$0x0] =	wrdreg $0xFFFFFFFF;
	(pc) =	sbr.abs _section_cstart, $3  }
0xc0: {  	[dreg:$0x1] =	wrdreg $0xFFFFFFFF  }
0xc1: {  	_ =	task.clear_ibuf [dreg:s7], $0x2FFFF;
	_ =	strace $0x9FFFFFFF  }
0xc2: {  	(tm) =	ssettm $0x7FFFFFFF  }
0xc3: {  	_ =	shalt  }
tec
execute0_lowered:
.L_overlay_start_1:
0x0: {  	(tag) =	ssettag $0x1  }
0x1: {  	s5 =	rddreg [dreg:$0x0]  }
0x2: {  	s3 =	rddreg [dreg:$0x1]  }
0x3: {  	s0 =	rddreg [dreg:$0x2]  }
0x4: {  	s4 =	srdreg.scid;
	s1 =	stileid.u32;
	s2 =	simm.s32 $0x0  }
0x5: {  	s4 =	sand.u32 $0x1, s4;
	s6 =	sshll.u32 s1, $0x1;
	[smem:$0x7FF] =	sst s2  }
0x6: {  	v0 =	vlaneseq.u32;
	s11 =	sor.u32 s4, s6;
	_ =	strace $0x80000047;
	s4 =	ssub.s32 $0x2, s4  }
0x7: {  	v5 =	vmul.u32 $0x5B, v0;
	s6 =	sshll.u32 s11, $0x1;
	s12 =	sor.u32 $0x20, s11;
	s7 =	smin.u32 s11, $0x1A  }
0x8: {  	s8 =	smul.u32 $0x9D00, s11;
	s30 =	sshrl.u32 s4, $0x1;
	s15 =	sadd.s32 $0x5B0, s11  }
0x9: {  	s16 =	sadd.s32 $0x5D0, s11;
	v0 =	vadd.s32 s11, v5;
	s11 =	simm.s32 $0x1;
	s14 =	sor.u32 $0x40, s7  }
0xa: {  	s9 =	smul.u32 $0x9D00, s12;
	s10 =	sadd.s32 s6, s3;
	s13 =	ssub.s32 s4, s30  }
0xb: {  	s17 =	sadd.s32 $0x5F0, s7;
	v1 =	vadd.s32 s15, v5;
	v2 =	vadd.s32 s12, v5;
	s12 =	simm.s32 $0x4E80;
	s15 =	simm.s32 $0xEC00  }
0xc: {  	v3 =	vadd.s32 s16, v5;
	s16 =	simm.s32 $0x0;
	s31 =	smul.u32 $0x9D00, s14;
	s3 =	sadd.s32 s5, s8  }
0xd: {  	s6 =	sadd.s32 $0xE00, s10;
	s7 =	sadd.s32 $0x1000, s10;
	s8 =	smax.u32 s13, $0x1  }
0xe: {  	s10 =	simm.s32 $0x400;
	s13 =	simm.s32 $0x9D00;
	v4 =	vadd.s32 s14, v5;
	s14 =	simm.s32 $0xEB80  }
0xf: {  	v5 =	vadd.s32 s17, v5;
	s4 =	sadd.s32 s5, s9;
	s9 =	simm.s32 $0x80;
	s5 =	sadd.s32 s5, s31  }
.LBB2_1:
0x10: {  	[tilespmem:s2], [sflag:$0x1] =	stream.strided.gather [hbm4b:s3+s9], $0x4E80, s10, s9, $0x38;
	[tilespmem:$0xEC80] =	vst v63  }
0x11: {  	_ =	swait.ge [sflag:s11], $0x4E80  }
0x12: {  	[sflag:s11] =	ssyncset.done $0x0  }
0x13: {  	[sflag:s11] =	ssyncadd.s32 $0xFFFFB180  }
0x14: {  	[tilespmem:s12], [sflag:$0x1] =	stream.strided.gather [hbm4b:s4+s9], $0x4E80, s10, s9, $0x38;
	[tilespmem:$0xEC80] =	vst v63  }
0x15: {  	_ =	swait.ge [sflag:s11], $0x4E80  }
0x16: {  	[sflag:s11] =	ssyncset.done $0x0  }
0x17: {  	[sflag:s11] =	ssyncadd.s32 $0xFFFFB180  }
0x18: {  	[tilespmem:s13], [sflag:$0x1] =	stream.strided.gather [hbm4b:s5+s9], $0x4E80, s10, s9, $0x38;
	[tilespmem:$0xEC80] =	vst v63  }
0x19: {  	_ =	swait.ge [sflag:s11], $0x4E80  }
0x1a: {  	[sflag:s11] =	ssyncset.done $0x0  }
0x1b: {  	s17 =	simm.s32 $0x0;
	[sflag:s11] =	ssyncadd.s32 $0xFFFFB180  }
0x1c: {  	v10 =	vld [tilespmem:s17+$0x9D10]  }
0x1d: {  	v6 =	vld [tilespmem:s17+$0x0]  }
0x1e: {  	v9 =	vld [tilespmem:s17+$0x10]  }
0x1f: {  	v11 =	vimm.f32 $-1.000000020e+30;
	v12 =	vimm.s32 $0x0;
	v19 =	vimm.s32 $0x0;
	v25 =	vld [tilespmem:s17+$0x4E80]  }
0x20: {  	v20 =	vimm.f32 $-1.000000020e+30;
	v18 =	vimm.s32 $0x0;
	v17 =	vmovc v1;
	v13 =	vmovc v2;
	v24 =	vimm.f32 $-1.000000020e+30;
	v26 =	vld [tilespmem:s17+$0x4E90]  }
0x21: {  	v14 =	vmovc v3;
	v22 =	vmovc v0;
	v23 =	vimm.s32 $0x0;
	v21 =	vimm.f32 $-1.000000020e+30;
	v27 =	vld [tilespmem:s17+$0x9D00];
	vm0 =	vgt.f32 v10, v11  }
0x22: {  	v15 =	vmovc v4;
	vm1 =	vgt.f32 v6, v11;
	v6 =	vmax.f32 v11, v6;
	v7 =	vsel vm0, v5, v12  }
0x23: {  	s18 =	simm.s32 $0x100;
	v16 =	vmovc v5;
	s17 =	simm.s32 $0x20;
	v8 =	vsel vm1, v0, v12;
	vm0 =	vgt.f32 v9, v11;
	v9 =	vmax.f32 v11, v9  }
.LBB2_2:
0x24: {  	p0 =	sne.s32 s18, $0x13800;
	v28 =	vld [tilespmem:s17+$0x9D10];
	v12 =	vsel vm0, v17, v12;
	vm0 =	vgt.f32 v25, v11;
	v11 =	vmax.f32 v11, v25  }
0x25: {  	v29 =	vld [tilespmem:s17+$0x0];
	v19 =	vsel vm0, v13, v19;
	vm0 =	vgt.f32 v26, v20;
	v20 =	vmax.f32 v20, v26  }
0x26: {  	v30 =	vld [tilespmem:s17+$0x10];
	v18 =	vsel vm0, v14, v18;
	vm0 =	vgt.f32 v27, v24;
	v24 =	vmax.f32 v24, v27  }
.Ltmp0:
0x27: {  	v22 =	vadd.s32 $0xB60, v22;
	v17 =	vadd.s32 $0xB60, v17;
	v25 =	vld [tilespmem:s17+$0x4E80];
	v23 =	vsel vm0, v15, v23;
	(pc) =	sbr.rel @p0 .LBB2_2-.Ltmp0, $4  }
0x28: {  	v21 =	vmax.f32 v21, v10;
	v13 =	vadd.s32 $0xB60, v13;
	v14 =	vadd.s32 $0xB60, v14;
	v26 =	vld [tilespmem:s17+$0x4E90]  }
0x29: {  	v16 =	vadd.s32 $0xB60, v16;
	v15 =	vadd.s32 $0xB60, v15;
	v27 =	vld [tilespmem:s17+$0x9D00];
	vm0 =	vgt.f32 v28, v21;
	v10 =	vmovc v28  }
0x2a: {  	vm1 =	vgt.f32 v29, v6;
	v6 =	vmax.f32 v6, v29;
	v7 =	vsel vm0, v16, v7  }
0x2b: {  	s17 =	sshra.s32 s18, $0x2;
	s18 =	sadd.s32 $0x80, s18;
	v8 =	vsel vm1, v22, v8;
	vm0 =	vgt.f32 v30, v9;
	v9 =	vmax.f32 v9, v30  }
0x2c: {  	v28 =	vld [tilespmem:s17+$0x9D10]  }
0x2d: {  	v12 =	vsel vm0, v17, v12;
	v49 =	vld [tilespmem:s17+$0x0]  }
0x2e: {  	vm5 =	vgt.f32 v25, v11;
	v48 =	vmax.f32 v11, v25;
	v51 =	vld [tilespmem:s17+$0x10];
	v22 =	vadd.s32 $0xB60, v22  }
0x2f: {  	v53 =	vld [tilespmem:s17+$0x4E80];
	v54 =	vadd.s32 $0xB60, v17;
	v10 =	vmax.f32 v21, v10;
	v55 =	vadd.s32 $0xB60, v13  }
0x30: {  	v29 =	vld [tilespmem:s17+$0x4E90];
	v56 =	vadd.s32 $0xB60, v14;
	v58 =	vadd.s32 $0xB60, v15;
	v16 =	vadd.s32 $0xB60, v16  }
0x31: {  	v57 =	vld [tilespmem:s17+$0x9D00];
	vm1 =	vgt.f32 v26, v20;
	v19 =	vsel vm5, v13, v19;
	v50 =	vmax.f32 v20, v26  }
0x32: {  	v18 =	vsel vm1, v14, v18;
	vm6 =	vgt.f32 v27, v24;
	v52 =	vmax.f32 v24, v27  }
0x33: {  	v23 =	vsel vm6, v15, v23;
	vm7 =	vgt.f32 v28, v10;
	vm8 =	vgt.f32 v49, v6  }
0x34: {  	v6 =	vmax.f32 v6, v49;
	vm9 =	vgt.f32 v51, v9;
	v59 =	vmax.f32 v9, v51  }
0x35: {  	vm10 =	vgt.f32 v53, v48;
	v11 =	vmax.f32 v48, v53;
	vm11 =	vgt.f32 v29, v50  }
0x36: {  	v60 =	vmax.f32 v50, v29;
	vm12 =	vgt.f32 v57, v52;
	v61 =	vmax.f32 v52, v57  }
0x37: {  	v10 =	vmax.f32 v10, v28;
	v7 =	vsel vm7, v16, v7;
	v8 =	vsel vm8, v22, v8  }
0x38: {  	v12 =	vsel vm9, v54, v12;
	v13 =	vsel vm10, v55, v19;
	v14 =	vsel vm11, v56, v18  }
0x39: {  	v15 =	vsel vm12, v58, v23;
	vm13 =	vgt.f32 v59, v6;
	vm14 =	veq.f32 v59, v6  }
0x3a: {  	vm15 =	veq.f32 v60, v11;
	vm6 =	vgt.f32 v60, v11;
	vm2 =	vlt.s32 v12, v8  }
0x3b: {  	vm7 =	vgt.f32 v10, v61;
	vm3 =	vlt.s32 v14, v13;
	vm1 =	vmand vm14, vm2  }
0x3c: {  	vm8 =	veq.f32 v10, v61;
	vm2 =	vmand vm15, vm3;
	vm0 =	vmor vm13, vm1  }
0x3d: {  	vm9 =	vlt.s32 v7, v15;
	vm1 =	vmor vm6, vm2;
	v6 =	vsel vm0, v59, v6  }
0x3e: {  	v8 =	vsel vm0, v12, v8;
	v62 =	vsel vm1, v60, v11;
	v63 =	vsel vm1, v14, v13  }
0x3f: {  	vm1 =	vmand vm8, vm9;
	vm10 =	veq.f32 v62, v6;
	vm11 =	vlt.s32 v63, v8  }
0x40: {  	vm0 =	vmor vm7, vm1;
	vm13 =	vgt.f32 v62, v6;
	vm12 =	vmand vm10, vm11  }
0x41: {  	v10 =	vsel vm0, v10, v61;
	vm1 =	vmor vm13, vm12  }
0x42: {  	v7 =	vsel vm0, v7, v15;
	v6 =	vsel vm1, v62, v6;
	v8 =	vsel vm1, v63, v8  }
0x43: {  	vm14 =	veq.f32 v10, v6;
	vm1 =	vlt.s32 v7, v8  }
0x44: {  	vm15 =	vgt.f32 v10, v6;
	vm0 =	vmand vm14, vm1  }
0x45: {  	vm0 =	vmor vm15, vm0  }
0x46: {  	v6 =	vsel vm0, v10, v6  }
0x47: {  	v7 =	vsel vm0, v7, v8;
	[tilespmem:$0xEB80] =	vst v6  }
0x48: {  	[tilespmem:$0xEC00] =	vst v7  }
0x49: {  	[hbm4b:s6+s2] =	stream.linear.scatter [tilespmem:s14], [sflag:$0x1], $0x10, $0x38;
	[tilespmem:$0xEC80] =	vst v63  }
0x4a: {  	s16 =	sadd.s32 $0x1, s16;
	_ =	swait.ge [sflag:s11], $0x10  }
0x4b: {  	p0 =	sne.s32 s16, s8;
	[sflag:s11] =	ssyncset.done $0x0  }
.Ltmp1:
0x4c: {  	[sflag:s11] =	ssyncadd.s32 $0xFFFFFFF0;
	(pc) =	sbr.rel @p0 .LBB2_1-.Ltmp1, $4  }
0x4d: {  	[hbm4b:s7+s2] =	stream.linear.scatter [tilespmem:s15], [sflag:$0x1], $0x10, $0x38;
	[tilespmem:$0xEC80] =	vst v63  }
0x4e: {  	_ =	swait.ge [sflag:s11], $0x10  }
0x4f: {  	[sflag:s11] =	ssyncset.done $0x0  }
0x50: {  	[sflag:s11] =	ssyncadd.s32 $0xFFFFFFF0  }
0x51: {  	_ =	sfence.sel $0x180000  }
0x52: {  	[bflag:$0x0] =	sbarrier.arrive $0xFFFF  }
0x53: {  	p0 =	sne.s32 s1, $0x0;
	_ =	strace $0x90000047  }
0x54: {  	s0 =	sadd.s32 @!p0 $0x100000, s0;
	[bflag:$0x2] =	sbarrier.arrive $0xFFFF  }
0x55: {  	[sflag:s0] =	ssyncadd.tile.s32 @!p0 $0x1;
	_ =	shalt  }
.Lfunc_end2:
_tile_overlayer_lowered:
.L_overlay_start_2:
0x56: {  	(tag) =	ssettag $0x2  }
0x57: {  	s0 =	rddreg [dreg:$0x0];
	s2 =	stileid.u32  }
0x58: {  	s1 =	rddreg [dreg:$0x1];
	p0 =	sne.s32 s2, $0x0  }
0x59: {  	s3 =	rddreg [dreg:$0x2];
	[bflag:$0x3] =	sbarrier.arrive $0xFFFF;
	s2 =	simm.s32 @!p0 $0x1C01  }
0x5a: {  	[timem:s3], [sflag:s2] =	dma.local @!p0 [hbm:s0], s1  }
0x5b: {  	s0 =	simm.s32 @!p0 $0x1  }
0x5c: {  	_ =	swait.ge @!p0 [sflag:s0], s1  }
0x5d: {  	s1 =	ssub.s32 @!p0 $0x0, s1;
	[sflag:s0] =	ssyncset.done @!p0 $0x0  }
0x5e: {  	[sflag:s0] =	ssyncadd.s32 @!p0 s1  }
0x5f: {  	[bflag:$0x3] =	sbarrier.arrive $0xFFFF  }
0x60: {  	_ =	shalt  }

</sc_bundles>
